<compile_context>
chip_gen: v7x
topology: tpu7x:2x2x1
jax: 0.10.2.dev20260603
libtpu: 0.0.44.dev20260713+nightly
codegen_flags: <defaults>
</compile_context>

<pallas_src>
import functools

import jax
import jax.numpy as jnp
import numpy as np
from jax import lax
from jax.experimental import pallas as pl
from jax.experimental.pallas import tpu as pltpu
from jax.experimental.pallas import tpu_sc as plsc


LANES = 16
NBUF = 4


def _pack_perm(d):
    p = np.empty((d,), dtype=np.int32)
    for k in range(d // 2):
        p[k] = 2 * LANES * (k // LANES) + k % LANES
        p[d // 2 + k] = 2 * LANES * (k // LANES) + LANES + k % LANES
    return p


def _make_matmul_pack_kernel(scale, d_out):
    half = d_out // 2

    def _bf16_bits(v):
        u = lax.bitcast_convert_type(v, jnp.uint32)
        return (u + jnp.uint32(0x7FFF) + ((u >> 16) & jnp.uint32(1))) >> 16

    def _matmul_pack_kernel(x_ref, w_ref, b_ref, y_ref):
        yf = (
            jnp.dot(x_ref[...], w_ref[...], preferred_element_type=jnp.float32)
            + b_ref[0:1, :]
        ) * scale
        lo = _bf16_bits(yf[:, :half])
        hi = _bf16_bits(yf[:, half:])
        w32 = lax.bitcast_convert_type(lo | (hi << 16), jnp.int32)
        y_ref[:, :half] = w32
        y_ref[:, half:] = w32

    return _matmul_pack_kernel


def _tc_linear_packed(x, W, b2d, block_rows, scale):
    n, d_in = x.shape
    d_out = W.shape[1]
    grid = n // block_rows
    return pl.pallas_call(
        _make_matmul_pack_kernel(scale, d_out),
        grid=(grid,),
        in_specs=[
            pl.BlockSpec((block_rows, d_in), lambda i: (i, 0)),
            pl.BlockSpec((d_in, d_out), lambda i: (0, 0)),
            pl.BlockSpec((8, d_out), lambda i: (0, 0)),
        ],
        out_specs=pl.BlockSpec((block_rows, d_out), lambda i: (i, 0)),
        out_shape=jax.ShapeDtypeStruct((n, d_out), jnp.int32),
    )(x, W, b2d)


def _make_sc_aggregate(n, d, deg, chunk_nodes):
    info = plsc.get_sparse_core_info()
    nw = info.num_cores * info.num_subcores
    d32 = d // 2
    chunk_edges = chunk_nodes * deg
    assert chunk_edges <= 128
    num_chunks = n // chunk_nodes
    assert num_chunks * chunk_nodes == n
    stride = (num_chunks + nw - 1) // nw
    stride += stride % 2
    quantum = NBUF * 2 if NBUF % 2 else NBUF
    win = ((max(stride, NBUF) + quantum - 1) // quantum) * quantum
    rounds = win // NBUF
    assert stride * (nw - 1) + win >= num_chunks and win <= num_chunks
    assert num_chunks % 2 == 0
    ngrp = d32 // LANES
    mesh = plsc.VectorSubcoreMesh(core_axis_name="c", subcore_axis_name="s")

    @functools.partial(
        pl.kernel,
        out_type=jax.ShapeDtypeStruct((n, d), jnp.float32),
        mesh=mesh,
        scratch_types=[
            pltpu.VMEM((win * chunk_edges,), jnp.int32),
            pltpu.VMEM((NBUF, chunk_edges, d), jnp.int32),
            pltpu.VMEM((win * chunk_nodes, d), jnp.float32),
            [pltpu.SemaphoreType.DMA] * NBUF,
        ],
    )
    def sc_agg(y32_hbm, idx_hbm, out_hbm, idx_v, rows_v, out_v, sems):
        wid = lax.axis_index("s") * info.num_cores + lax.axis_index("c")
        base = jnp.minimum(wid * stride, num_chunks - win)

        edge_base = pl.multiple_of(base * chunk_edges, 8)
        pltpu.sync_copy(idx_hbm.at[pl.ds(edge_base, win * chunk_edges)], idx_v)

        def islice(t):
            return idx_v.at[pl.ds(pl.multiple_of(t * chunk_edges, 8), chunk_edges)]

        def fire(t, b):
            pltpu.async_copy(y32_hbm.at[islice(t)], rows_v.at[b], sems[b])

        def consume(t, b):
            pltpu.make_async_copy(
                y32_hbm.at[islice(t)], rows_v.at[b], sems[b]
            ).wait()

            hi_mask = jnp.full((LANES,), -65536, dtype=jnp.int32)

            def unpack2(row_i, gsl):
                w = rows_v[b, row_i, gsl]
                ua = lax.bitcast_convert_type(w << 16, jnp.float32)
                ub = lax.bitcast_convert_type(w & hi_mask, jnp.float32)
                return ua, ub

            def node(j, carry):
                for g in range(0):
                    gsl = pl.ds(g * LANES, LANES)

                    def tsum(lo, hi):
                        if hi - lo == 1:
                            return unpack2(j * deg + lo, gsl)
                        mid = (lo + hi) // 2
                        a0, b0 = tsum(lo, mid)
                        a1, b1 = tsum(mid, hi)
                        return a0 + a1, b0 + b1

                    acc_a, acc_b = tsum(0, deg)
                    row = t * chunk_nodes + j
                    out_v[row, pl.ds(g * 2 * LANES, LANES)] = acc_a
                    out_v[row, pl.ds(g * 2 * LANES + LANES, LANES)] = acc_b
                return carry

            lax.fori_loop(0, chunk_nodes, node, 0)

        for b in range(NBUF):
            fire(b, b)

        def round_(o, carry):
            for b in range(NBUF):
                t = o * NBUF + b
                consume(t, b)

                @pl.when(t + NBUF < win)
                def _():
                    fire(t + NBUF, b)

            return carry

        lax.fori_loop(0, rounds, round_, 0)

        row_base = pl.multiple_of(base * chunk_nodes, 8)
        pltpu.sync_copy(out_v, out_hbm.at[pl.ds(row_base, win * chunk_nodes)])

    return sc_agg


def kernel(x, W, b, ptr, idx, num_node):
    n, d_in = x.shape
    d_out = W.shape[1]
    e = idx.shape[0]
    deg = e // n
    perm = _pack_perm(d_out)
    b2d = jnp.tile(b[perm].reshape(1, d_out), (8, 1))
    y32dup = _tc_linear_packed(
        x, W[:, perm], b2d, block_rows=1000, scale=1.0 / float(deg)
    )
    chunk_nodes = max(1, 128 // deg)
    sc_agg = _make_sc_aggregate(n, d_out, deg, chunk_nodes)
    return sc_agg(y32dup, idx)

# --- scband reference (transcript-rebuilt; emitter-appended) ---
"""Pipeline reference for scband-my-gcnconv-85126251807563 (READ-ONLY COPY).

The authoritative reference and input builder live on the scoring server;
editing this copy changes nothing except your own understanding.
"""

import jax, jax.numpy as jnp
import numpy as np

N = 10000
DEG = 32
E = N * DEG
D_IN = 128
D_OUT = 128


def setup_inputs(seed: int = 0) -> dict:
    key = jax.random.key(seed)
    k1, k2, k3 = jax.random.split(key, 3)
    x = jax.random.normal(k1, (N, D_IN), dtype=jnp.float32)
    # glorot-initialized linear weight (stored as [in, out]; out = x @ W)
    limit = float(np.sqrt(6.0 / (D_IN + D_OUT)))
    W = jax.random.uniform(k2, (D_IN, D_OUT), dtype=jnp.float32, minval=-limit, maxval=limit)
    b = jnp.zeros((D_OUT,), dtype=jnp.float32)
    # CSR row pointer with uniform degree DEG: ptr[0]=0, ptr[-1]=E, sorted
    ptr = (jnp.arange(N + 1) * DEG).astype(jnp.int32)
    idx = jax.random.randint(k3, (E,), 0, N, dtype=jnp.int32)
    return {"x": x, "W": W, "b": b, "ptr": ptr, "idx": idx, "num_node": N}


def reference(x, W, b, ptr, idx, num_node):
    # out = self.lin(x)  (Linear, bias=False)
    out = x @ W
    # gcn_norm(ptr, idx)
    deg = ptr[1:] - ptr[:-1]
    e_total = idx.shape[0]
    deg_to = jnp.repeat(deg, deg, total_repeat_length=e_total)
    edge_value = 1.0 / deg_to.astype(jnp.float32)
    edge_value = jnp.where(jnp.isinf(edge_value), 0.0, edge_value)
    # sage_sum_forward_edge_value: for each dst node i, sum over edges ptr[i]:ptr[i+1]
    # of out[idx[e]] * edge_value[e]
    n_static = ptr.shape[0] - 1
    node_ids = jnp.arange(n_static, dtype=jnp.int32)
    dst = jnp.repeat(node_ids, deg, total_repeat_length=e_total)
    msg = out[idx] * edge_value[:, None]
    agg = jax.ops.segment_sum(msg, dst, num_segments=n_static)
    agg = jnp.where(node_ids[:, None] < num_node, agg, 0.0)
    # bias add
    return agg + b

if __name__ == "__main__":
    import jax
    _d = setup_inputs()
    print(jax.jit(kernel)(*tuple(_d.values())))

</pallas_src>

<mosaic_0001>
#map = affine_map<(d0, d1) -> (0, 0)>
#map1 = affine_map<(d0, d1) -> (0)>
module attributes {stable_mosaic.version = 14 : i64} {
  func.func @sc_agg(%arg0: i32, %arg1: i32, %arg2: memref<10000x128xi32, #tpu.memory_space<hbm>>, %arg3: memref<320000xi32, #tpu.memory_space<hbm>>, %arg4: memref<10000x128xf32, #tpu.memory_space<hbm>>, %arg5: memref<10240xi32, #tpu.memory_space<vmem>>, %arg6: memref<4x128x128xi32, #tpu.memory_space<vmem>>, %arg7: memref<320x128xf32, #tpu.memory_space<vmem>>, %arg8: memref<!tpu.dma_semaphore, #tpu.memory_space<semaphore_mem>>, %arg9: memref<!tpu.dma_semaphore, #tpu.memory_space<semaphore_mem>>, %arg10: memref<!tpu.dma_semaphore, #tpu.memory_space<semaphore_mem>>, %arg11: memref<!tpu.dma_semaphore, #tpu.memory_space<semaphore_mem>>) attributes {dimension_semantics = [#tpu.dimension_semantics<core_parallel>, #tpu.dimension_semantics<subcore_parallel>], iteration_bounds = array<i64: 2, 16>, scalar_prefetch = 0 : i64, scratch_operands = 7 : i64, tpu.core_type = #tpu.core_type<sc_vector_subcore>, window_params = [{transform_indices = #map}, {transform_indices = #map1}, {transform_indices = #map}]} {
    %mul3A = arith.constant 2 : i32
    %mul3A_0 = arith.muli %arg1, %mul3A : i32
    %add3A = arith.addi %mul3A_0, %arg0 : i32
    %mul3A_1 = arith.constant 80 : i32
    %mul3A_2 = arith.muli %add3A, %mul3A_1 : i32
    %min3A = arith.constant 2420 : i32
    %min3A_3 = arith.minsi %mul3A_2, %min3A : i32
    %mul3A_4 = arith.constant 128 : i32
    %mul3A_5 = arith.muli %min3A_3, %mul3A_4 : i32
    %multiple_of3A = tpu.assume_multiple %mul3A_5, 8 : i32
    "tpu.region"() ({
      %run_scoped3A = tpu.sem_alloc : memref<!tpu.dma_semaphore, #tpu.memory_space<semaphore_mem>>
      %dma_start3A_57 = tpu.memref_slice %arg3[%multiple_of3A] : memref<320000xi32, #tpu.memory_space<hbm>> -> memref<10240xi32, #tpu.memory_space<hbm>>
      %dma_start3A_58 = tpu.memref_slice %arg3[%multiple_of3A] : memref<320000xi32, #tpu.memory_space<hbm>> -> memref<10240xi32, #tpu.memory_space<hbm>>
      tpu.enqueue_dma source(%dma_start3A_58 : memref<10240xi32, #tpu.memory_space<hbm>>) target(%arg5 : memref<10240xi32, #tpu.memory_space<vmem>>) target_semaphore(%run_scoped3A : memref<!tpu.dma_semaphore, #tpu.memory_space<semaphore_mem>>)
      %dma_wait3A = tpu.memref_slice %arg3[%multiple_of3A] : memref<320000xi32, #tpu.memory_space<hbm>> -> memref<10240xi32, #tpu.memory_space<hbm>>
      %dma_wait3A_59 = tpu.memref_slice %arg3[%multiple_of3A] : memref<320000xi32, #tpu.memory_space<hbm>> -> memref<10240xi32, #tpu.memory_space<hbm>>
      tpu.wait_dma2 semaphore(%run_scoped3A : memref<!tpu.dma_semaphore, #tpu.memory_space<semaphore_mem>>) src(%dma_wait3A_59 : memref<10240xi32, #tpu.memory_space<hbm>>) dst(%arg5 : memref<10240xi32, #tpu.memory_space<vmem>>)
      tpu.yield
    }) : () -> ()
    %multiple_of3A_6 = arith.constant 0 : i32
    %multiple_of3A_7 = tpu.assume_multiple %multiple_of3A_6, 8 : i32
    %dma_start3A = arith.constant 0 : i32
    %dma_start3A_8 = arith.constant 0 : i32
    %dma_start3A_9 = arith.constant 0 : i32
    %dma_start3A_10 = tpu.memref_slice %arg6[%dma_start3A, %dma_start3A_8, %dma_start3A_9] : memref<4x128x128xi32, #tpu.memory_space<vmem>> -> memref<1x128x128xi32, #tpu.memory_space<vmem>>
    %dma_start3A_11 = tpu.memref_squeeze %dma_start3A_10 : memref<1x128x128xi32, #tpu.memory_space<vmem>> -> memref<128x128xi32, #tpu.memory_space<vmem>>
    %dma_start3A_12 = tpu.memref_slice %arg5[%multiple_of3A_7] : memref<10240xi32, #tpu.memory_space<vmem>> -> memref<128xi32, #tpu.memory_space<vmem>>
    %dma_start3A_13 = arith.constant 0 : i32
    %dma_start3A_14 = arith.constant 0 : i32
    %dma_start3A_15 = tpu.memref_slice %arg2[%dma_start3A_13, %dma_start3A_14] : memref<10000x128xi32, #tpu.memory_space<hbm>> -> memref<10000x128xi32, #tpu.memory_space<hbm>>
    tpu.enqueue_indirect_dma source(%dma_start3A_15 : memref<10000x128xi32, #tpu.memory_space<hbm>>) target(%dma_start3A_11 : memref<128x128xi32, #tpu.memory_space<vmem>>) offsets(%dma_start3A_12 : memref<128xi32, #tpu.memory_space<vmem>>) semaphore(%arg8 : memref<!tpu.dma_semaphore, #tpu.memory_space<semaphore_mem>>)
    %multiple_of3A_16 = arith.constant 128 : i32
    %multiple_of3A_17 = tpu.assume_multiple %multiple_of3A_16, 8 : i32
    %dma_start3A_18 = arith.constant 1 : i32
    %dma_start3A_19 = arith.constant 0 : i32
    %dma_start3A_20 = arith.constant 0 : i32
    %dma_start3A_21 = tpu.memref_slice %arg6[%dma_start3A_18, %dma_start3A_19, %dma_start3A_20] : memref<4x128x128xi32, #tpu.memory_space<vmem>> -> memref<1x128x128xi32, #tpu.memory_space<vmem>>
    %dma_start3A_22 = tpu.memref_squeeze %dma_start3A_21 : memref<1x128x128xi32, #tpu.memory_space<vmem>> -> memref<128x128xi32, #tpu.memory_space<vmem>>
    %dma_start3A_23 = tpu.memref_slice %arg5[%multiple_of3A_17] : memref<10240xi32, #tpu.memory_space<vmem>> -> memref<128xi32, #tpu.memory_space<vmem>>
    %dma_start3A_24 = arith.constant 0 : i32
    %dma_start3A_25 = arith.constant 0 : i32
    %dma_start3A_26 = tpu.memref_slice %arg2[%dma_start3A_24, %dma_start3A_25] : memref<10000x128xi32, #tpu.memory_space<hbm>> -> memref<10000x128xi32, #tpu.memory_space<hbm>>
    tpu.enqueue_indirect_dma source(%dma_start3A_26 : memref<10000x128xi32, #tpu.memory_space<hbm>>) target(%dma_start3A_22 : memref<128x128xi32, #tpu.memory_space<vmem>>) offsets(%dma_start3A_23 : memref<128xi32, #tpu.memory_space<vmem>>) semaphore(%arg9 : memref<!tpu.dma_semaphore, #tpu.memory_space<semaphore_mem>>)
    %multiple_of3A_27 = arith.constant 256 : i32
    %multiple_of3A_28 = tpu.assume_multiple %multiple_of3A_27, 8 : i32
    %dma_start3A_29 = arith.constant 2 : i32
    %dma_start3A_30 = arith.constant 0 : i32
    %dma_start3A_31 = arith.constant 0 : i32
    %dma_start3A_32 = tpu.memref_slice %arg6[%dma_start3A_29, %dma_start3A_30, %dma_start3A_31] : memref<4x128x128xi32, #tpu.memory_space<vmem>> -> memref<1x128x128xi32, #tpu.memory_space<vmem>>
    %dma_start3A_33 = tpu.memref_squeeze %dma_start3A_32 : memref<1x128x128xi32, #tpu.memory_space<vmem>> -> memref<128x128xi32, #tpu.memory_space<vmem>>
    %dma_start3A_34 = tpu.memref_slice %arg5[%multiple_of3A_28] : memref<10240xi32, #tpu.memory_space<vmem>> -> memref<128xi32, #tpu.memory_space<vmem>>
    %dma_start3A_35 = arith.constant 0 : i32
    %dma_start3A_36 = arith.constant 0 : i32
    %dma_start3A_37 = tpu.memref_slice %arg2[%dma_start3A_35, %dma_start3A_36] : memref<10000x128xi32, #tpu.memory_space<hbm>> -> memref<10000x128xi32, #tpu.memory_space<hbm>>
    tpu.enqueue_indirect_dma source(%dma_start3A_37 : memref<10000x128xi32, #tpu.memory_space<hbm>>) target(%dma_start3A_33 : memref<128x128xi32, #tpu.memory_space<vmem>>) offsets(%dma_start3A_34 : memref<128xi32, #tpu.memory_space<vmem>>) semaphore(%arg10 : memref<!tpu.dma_semaphore, #tpu.memory_space<semaphore_mem>>)
    %multiple_of3A_38 = arith.constant 384 : i32
    %multiple_of3A_39 = tpu.assume_multiple %multiple_of3A_38, 8 : i32
    %dma_start3A_40 = arith.constant 3 : i32
    %dma_start3A_41 = arith.constant 0 : i32
    %dma_start3A_42 = arith.constant 0 : i32
    %dma_start3A_43 = tpu.memref_slice %arg6[%dma_start3A_40, %dma_start3A_41, %dma_start3A_42] : memref<4x128x128xi32, #tpu.memory_space<vmem>> -> memref<1x128x128xi32, #tpu.memory_space<vmem>>
    %dma_start3A_44 = tpu.memref_squeeze %dma_start3A_43 : memref<1x128x128xi32, #tpu.memory_space<vmem>> -> memref<128x128xi32, #tpu.memory_space<vmem>>
    %dma_start3A_45 = tpu.memref_slice %arg5[%multiple_of3A_39] : memref<10240xi32, #tpu.memory_space<vmem>> -> memref<128xi32, #tpu.memory_space<vmem>>
    %dma_start3A_46 = arith.constant 0 : i32
    %dma_start3A_47 = arith.constant 0 : i32
    %dma_start3A_48 = tpu.memref_slice %arg2[%dma_start3A_46, %dma_start3A_47] : memref<10000x128xi32, #tpu.memory_space<hbm>> -> memref<10000x128xi32, #tpu.memory_space<hbm>>
    tpu.enqueue_indirect_dma source(%dma_start3A_48 : memref<10000x128xi32, #tpu.memory_space<hbm>>) target(%dma_start3A_44 : memref<128x128xi32, #tpu.memory_space<vmem>>) offsets(%dma_start3A_45 : memref<128xi32, #tpu.memory_space<vmem>>) semaphore(%arg11 : memref<!tpu.dma_semaphore, #tpu.memory_space<semaphore_mem>>)
    %scan3A = arith.constant 0 : i32
    %scan3A_49 = arith.constant 0 : i32
    %scan3A_50 = arith.constant 20 : i32
    %scan3A_51 = arith.addi %scan3A_49, %scan3A_50 : i32
    %scan3A_52 = arith.constant 1 : i32
    scf.for %scan3A_57 = %scan3A_49 to %scan3A_51 step %scan3A_52  : i32 {
      %mul3A_58 = arith.constant 4 : i32
      %mul3A_59 = arith.muli %scan3A_57, %mul3A_58 : i32
      %add3A_60 = arith.constant 0 : i32
      %add3A_61 = arith.addi %mul3A_59, %add3A_60 : i32
      %mul3A_62 = arith.constant 128 : i32
      %mul3A_63 = arith.muli %add3A_61, %mul3A_62 : i32
      %multiple_of3A_64 = tpu.assume_multiple %mul3A_63, 8 : i32
      %dma_wait3A = arith.constant 0 : i32
      %dma_wait3A_65 = arith.constant 0 : i32
      %dma_wait3A_66 = arith.constant 0 : i32
      %dma_wait3A_67 = tpu.memref_slice %arg6[%dma_wait3A, %dma_wait3A_65, %dma_wait3A_66] : memref<4x128x128xi32, #tpu.memory_space<vmem>> -> memref<1x128x128xi32, #tpu.memory_space<vmem>>
      %dma_wait3A_68 = tpu.memref_squeeze %dma_wait3A_67 : memref<1x128x128xi32, #tpu.memory_space<vmem>> -> memref<128x128xi32, #tpu.memory_space<vmem>>
      %dma_wait3A_69 = tpu.memref_slice %arg5[%multiple_of3A_64] : memref<10240xi32, #tpu.memory_space<vmem>> -> memref<128xi32, #tpu.memory_space<vmem>>
      %dma_wait3A_70 = arith.constant 0 : i32
      %dma_wait3A_71 = arith.constant 0 : i32
      %dma_wait3A_72 = tpu.memref_slice %arg2[%dma_wait3A_70, %dma_wait3A_71] : memref<10000x128xi32, #tpu.memory_space<hbm>> -> memref<10000x128xi32, #tpu.memory_space<hbm>>
      tpu.wait_indirect_dma semaphore(%arg8 : memref<!tpu.dma_semaphore, #tpu.memory_space<semaphore_mem>>) src(%dma_wait3A_72 : memref<10000x128xi32, #tpu.memory_space<hbm>>) dst(%dma_wait3A_68 : memref<128x128xi32, #tpu.memory_space<vmem>>)
      %broadcast_in_dim3A = arith.constant -65536 : i32
      %broadcast_in_dim3A_73 = vector.broadcast %broadcast_in_dim3A : i32 to vector<16xi32>
      %scan3A_74 = arith.constant 0 : i32
      %scan3A_75 = arith.constant 0 : i32
      %scan3A_76 = arith.constant 4 : i32
      %scan3A_77 = arith.addi %scan3A_75, %scan3A_76 : i32
      %scan3A_78 = arith.constant 1 : i32
      scf.for %scan3A_177 = %scan3A_75 to %scan3A_77 step %scan3A_78  : i32 {
      }
      %scan3A_79 = arith.constant 4 : i32
      %add3A_80 = arith.constant 4 : i32
      %add3A_81 = arith.addi %add3A_61, %add3A_80 : i32
      %lt3A = arith.constant 80 : i32
      %lt3A_82 = arith.cmpi slt, %add3A_81, %lt3A : i32
      %convert_element_type3A = arith.extui %lt3A_82 : i1 to i32
      %cond3A = arith.constant 0 : i32
      %cond3A_83 = arith.cmpi ne, %convert_element_type3A, %cond3A : i32
      scf.if %cond3A_83 {
        %add3A_177 = arith.constant 4 : i32
        %add3A_178 = arith.addi %add3A_61, %add3A_177 : i32
        %mul3A_179 = arith.constant 128 : i32
        %mul3A_180 = arith.muli %add3A_178, %mul3A_179 : i32
        %multiple_of3A_181 = tpu.assume_multiple %mul3A_180, 8 : i32
        %dma_start3A_182 = arith.constant 0 : i32
        %dma_start3A_183 = arith.constant 0 : i32
        %dma_start3A_184 = arith.constant 0 : i32
        %dma_start3A_185 = tpu.memref_slice %arg6[%dma_start3A_182, %dma_start3A_183, %dma_start3A_184] : memref<4x128x128xi32, #tpu.memory_space<vmem>> -> memref<1x128x128xi32, #tpu.memory_space<vmem>>
        %dma_start3A_186 = tpu.memref_squeeze %dma_start3A_185 : memref<1x128x128xi32, #tpu.memory_space<vmem>> -> memref<128x128xi32, #tpu.memory_space<vmem>>
        %dma_start3A_187 = tpu.memref_slice %arg5[%multiple_of3A_181] : memref<10240xi32, #tpu.memory_space<vmem>> -> memref<128xi32, #tpu.memory_space<vmem>>
        %dma_start3A_188 = arith.constant 0 : i32
        %dma_start3A_189 = arith.constant 0 : i32
        %dma_start3A_190 = tpu.memref_slice %arg2[%dma_start3A_188, %dma_start3A_189] : memref<10000x128xi32, #tpu.memory_space<hbm>> -> memref<10000x128xi32, #tpu.memory_space<hbm>>
        tpu.enqueue_indirect_dma source(%dma_start3A_190 : memref<10000x128xi32, #tpu.memory_space<hbm>>) target(%dma_start3A_186 : memref<128x128xi32, #tpu.memory_space<vmem>>) offsets(%dma_start3A_187 : memref<128xi32, #tpu.memory_space<vmem>>) semaphore(%arg8 : memref<!tpu.dma_semaphore, #tpu.memory_space<semaphore_mem>>)
      } else {
      }
      %mul3A_84 = arith.constant 4 : i32
      %mul3A_85 = arith.muli %scan3A_57, %mul3A_84 : i32
      %add3A_86 = arith.constant 1 : i32
      %add3A_87 = arith.addi %mul3A_85, %add3A_86 : i32
      %mul3A_88 = arith.constant 128 : i32
      %mul3A_89 = arith.muli %add3A_87, %mul3A_88 : i32
      %multiple_of3A_90 = tpu.assume_multiple %mul3A_89, 8 : i32
      %dma_wait3A_91 = arith.constant 1 : i32
      %dma_wait3A_92 = arith.constant 0 : i32
      %dma_wait3A_93 = arith.constant 0 : i32
      %dma_wait3A_94 = tpu.memref_slice %arg6[%dma_wait3A_91, %dma_wait3A_92, %dma_wait3A_93] : memref<4x128x128xi32, #tpu.memory_space<vmem>> -> memref<1x128x128xi32, #tpu.memory_space<vmem>>
      %dma_wait3A_95 = tpu.memref_squeeze %dma_wait3A_94 : memref<1x128x128xi32, #tpu.memory_space<vmem>> -> memref<128x128xi32, #tpu.memory_space<vmem>>
      %dma_wait3A_96 = tpu.memref_slice %arg5[%multiple_of3A_90] : memref<10240xi32, #tpu.memory_space<vmem>> -> memref<128xi32, #tpu.memory_space<vmem>>
      %dma_wait3A_97 = arith.constant 0 : i32
      %dma_wait3A_98 = arith.constant 0 : i32
      %dma_wait3A_99 = tpu.memref_slice %arg2[%dma_wait3A_97, %dma_wait3A_98] : memref<10000x128xi32, #tpu.memory_space<hbm>> -> memref<10000x128xi32, #tpu.memory_space<hbm>>
      tpu.wait_indirect_dma semaphore(%arg9 : memref<!tpu.dma_semaphore, #tpu.memory_space<semaphore_mem>>) src(%dma_wait3A_99 : memref<10000x128xi32, #tpu.memory_space<hbm>>) dst(%dma_wait3A_95 : memref<128x128xi32, #tpu.memory_space<vmem>>)
      %broadcast_in_dim3A_100 = arith.constant -65536 : i32
      %broadcast_in_dim3A_101 = vector.broadcast %broadcast_in_dim3A_100 : i32 to vector<16xi32>
      %scan3A_102 = arith.constant 0 : i32
      %scan3A_103 = arith.constant 0 : i32
      %scan3A_104 = arith.constant 4 : i32
      %scan3A_105 = arith.addi %scan3A_103, %scan3A_104 : i32
      %scan3A_106 = arith.constant 1 : i32
      scf.for %scan3A_177 = %scan3A_103 to %scan3A_105 step %scan3A_106  : i32 {
      }
      %scan3A_107 = arith.constant 4 : i32
      %add3A_108 = arith.constant 4 : i32
      %add3A_109 = arith.addi %add3A_87, %add3A_108 : i32
      %lt3A_110 = arith.constant 80 : i32
      %lt3A_111 = arith.cmpi slt, %add3A_109, %lt3A_110 : i32
      %convert_element_type3A_112 = arith.extui %lt3A_111 : i1 to i32
      %cond3A_113 = arith.constant 0 : i32
      %cond3A_114 = arith.cmpi ne, %convert_element_type3A_112, %cond3A_113 : i32
      scf.if %cond3A_114 {
        %add3A_177 = arith.constant 4 : i32
        %add3A_178 = arith.addi %add3A_87, %add3A_177 : i32
        %mul3A_179 = arith.constant 128 : i32
        %mul3A_180 = arith.muli %add3A_178, %mul3A_179 : i32
        %multiple_of3A_181 = tpu.assume_multiple %mul3A_180, 8 : i32
        %dma_start3A_182 = arith.constant 1 : i32
        %dma_start3A_183 = arith.constant 0 : i32
        %dma_start3A_184 = arith.constant 0 : i32
        %dma_start3A_185 = tpu.memref_slice %arg6[%dma_start3A_182, %dma_start3A_183, %dma_start3A_184] : memref<4x128x128xi32, #tpu.memory_space<vmem>> -> memref<1x128x128xi32, #tpu.memory_space<vmem>>
        %dma_start3A_186 = tpu.memref_squeeze %dma_start3A_185 : memref<1x128x128xi32, #tpu.memory_space<vmem>> -> memref<128x128xi32, #tpu.memory_space<vmem>>
        %dma_start3A_187 = tpu.memref_slice %arg5[%multiple_of3A_181] : memref<10240xi32, #tpu.memory_space<vmem>> -> memref<128xi32, #tpu.memory_space<vmem>>
        %dma_start3A_188 = arith.constant 0 : i32
        %dma_start3A_189 = arith.constant 0 : i32
        %dma_start3A_190 = tpu.memref_slice %arg2[%dma_start3A_188, %dma_start3A_189] : memref<10000x128xi32, #tpu.memory_space<hbm>> -> memref<10000x128xi32, #tpu.memory_space<hbm>>
        tpu.enqueue_indirect_dma source(%dma_start3A_190 : memref<10000x128xi32, #tpu.memory_space<hbm>>) target(%dma_start3A_186 : memref<128x128xi32, #tpu.memory_space<vmem>>) offsets(%dma_start3A_187 : memref<128xi32, #tpu.memory_space<vmem>>) semaphore(%arg9 : memref<!tpu.dma_semaphore, #tpu.memory_space<semaphore_mem>>)
      } else {
      }
      %mul3A_115 = arith.constant 4 : i32
      %mul3A_116 = arith.muli %scan3A_57, %mul3A_115 : i32
      %add3A_117 = arith.constant 2 : i32
      %add3A_118 = arith.addi %mul3A_116, %add3A_117 : i32
      %mul3A_119 = arith.constant 128 : i32
      %mul3A_120 = arith.muli %add3A_118, %mul3A_119 : i32
      %multiple_of3A_121 = tpu.assume_multiple %mul3A_120, 8 : i32
      %dma_wait3A_122 = arith.constant 2 : i32
      %dma_wait3A_123 = arith.constant 0 : i32
      %dma_wait3A_124 = arith.constant 0 : i32
      %dma_wait3A_125 = tpu.memref_slice %arg6[%dma_wait3A_122, %dma_wait3A_123, %dma_wait3A_124] : memref<4x128x128xi32, #tpu.memory_space<vmem>> -> memref<1x128x128xi32, #tpu.memory_space<vmem>>
      %dma_wait3A_126 = tpu.memref_squeeze %dma_wait3A_125 : memref<1x128x128xi32, #tpu.memory_space<vmem>> -> memref<128x128xi32, #tpu.memory_space<vmem>>
      %dma_wait3A_127 = tpu.memref_slice %arg5[%multiple_of3A_121] : memref<10240xi32, #tpu.memory_space<vmem>> -> memref<128xi32, #tpu.memory_space<vmem>>
      %dma_wait3A_128 = arith.constant 0 : i32
      %dma_wait3A_129 = arith.constant 0 : i32
      %dma_wait3A_130 = tpu.memref_slice %arg2[%dma_wait3A_128, %dma_wait3A_129] : memref<10000x128xi32, #tpu.memory_space<hbm>> -> memref<10000x128xi32, #tpu.memory_space<hbm>>
      tpu.wait_indirect_dma semaphore(%arg10 : memref<!tpu.dma_semaphore, #tpu.memory_space<semaphore_mem>>) src(%dma_wait3A_130 : memref<10000x128xi32, #tpu.memory_space<hbm>>) dst(%dma_wait3A_126 : memref<128x128xi32, #tpu.memory_space<vmem>>)
      %broadcast_in_dim3A_131 = arith.constant -65536 : i32
      %broadcast_in_dim3A_132 = vector.broadcast %broadcast_in_dim3A_131 : i32 to vector<16xi32>
      %scan3A_133 = arith.constant 0 : i32
      %scan3A_134 = arith.constant 0 : i32
      %scan3A_135 = arith.constant 4 : i32
      %scan3A_136 = arith.addi %scan3A_134, %scan3A_135 : i32
      %scan3A_137 = arith.constant 1 : i32
      scf.for %scan3A_177 = %scan3A_134 to %scan3A_136 step %scan3A_137  : i32 {
      }
      %scan3A_138 = arith.constant 4 : i32
      %add3A_139 = arith.constant 4 : i32
      %add3A_140 = arith.addi %add3A_118, %add3A_139 : i32
      %lt3A_141 = arith.constant 80 : i32
      %lt3A_142 = arith.cmpi slt, %add3A_140, %lt3A_141 : i32
      %convert_element_type3A_143 = arith.extui %lt3A_142 : i1 to i32
      %cond3A_144 = arith.constant 0 : i32
      %cond3A_145 = arith.cmpi ne, %convert_element_type3A_143, %cond3A_144 : i32
      scf.if %cond3A_145 {
        %add3A_177 = arith.constant 4 : i32
        %add3A_178 = arith.addi %add3A_118, %add3A_177 : i32
        %mul3A_179 = arith.constant 128 : i32
        %mul3A_180 = arith.muli %add3A_178, %mul3A_179 : i32
        %multiple_of3A_181 = tpu.assume_multiple %mul3A_180, 8 : i32
        %dma_start3A_182 = arith.constant 2 : i32
        %dma_start3A_183 = arith.constant 0 : i32
        %dma_start3A_184 = arith.constant 0 : i32
        %dma_start3A_185 = tpu.memref_slice %arg6[%dma_start3A_182, %dma_start3A_183, %dma_start3A_184] : memref<4x128x128xi32, #tpu.memory_space<vmem>> -> memref<1x128x128xi32, #tpu.memory_space<vmem>>
        %dma_start3A_186 = tpu.memref_squeeze %dma_start3A_185 : memref<1x128x128xi32, #tpu.memory_space<vmem>> -> memref<128x128xi32, #tpu.memory_space<vmem>>
        %dma_start3A_187 = tpu.memref_slice %arg5[%multiple_of3A_181] : memref<10240xi32, #tpu.memory_space<vmem>> -> memref<128xi32, #tpu.memory_space<vmem>>
        %dma_start3A_188 = arith.constant 0 : i32
        %dma_start3A_189 = arith.constant 0 : i32
        %dma_start3A_190 = tpu.memref_slice %arg2[%dma_start3A_188, %dma_start3A_189] : memref<10000x128xi32, #tpu.memory_space<hbm>> -> memref<10000x128xi32, #tpu.memory_space<hbm>>
        tpu.enqueue_indirect_dma source(%dma_start3A_190 : memref<10000x128xi32, #tpu.memory_space<hbm>>) target(%dma_start3A_186 : memref<128x128xi32, #tpu.memory_space<vmem>>) offsets(%dma_start3A_187 : memref<128xi32, #tpu.memory_space<vmem>>) semaphore(%arg10 : memref<!tpu.dma_semaphore, #tpu.memory_space<semaphore_mem>>)
      } else {
      }
      %mul3A_146 = arith.constant 4 : i32
      %mul3A_147 = arith.muli %scan3A_57, %mul3A_146 : i32
      %add3A_148 = arith.constant 3 : i32
      %add3A_149 = arith.addi %mul3A_147, %add3A_148 : i32
      %mul3A_150 = arith.constant 128 : i32
      %mul3A_151 = arith.muli %add3A_149, %mul3A_150 : i32
      %multiple_of3A_152 = tpu.assume_multiple %mul3A_151, 8 : i32
      %dma_wait3A_153 = arith.constant 3 : i32
      %dma_wait3A_154 = arith.constant 0 : i32
      %dma_wait3A_155 = arith.constant 0 : i32
      %dma_wait3A_156 = tpu.memref_slice %arg6[%dma_wait3A_153, %dma_wait3A_154, %dma_wait3A_155] : memref<4x128x128xi32, #tpu.memory_space<vmem>> -> memref<1x128x128xi32, #tpu.memory_space<vmem>>
      %dma_wait3A_157 = tpu.memref_squeeze %dma_wait3A_156 : memref<1x128x128xi32, #tpu.memory_space<vmem>> -> memref<128x128xi32, #tpu.memory_space<vmem>>
      %dma_wait3A_158 = tpu.memref_slice %arg5[%multiple_of3A_152] : memref<10240xi32, #tpu.memory_space<vmem>> -> memref<128xi32, #tpu.memory_space<vmem>>
      %dma_wait3A_159 = arith.constant 0 : i32
      %dma_wait3A_160 = arith.constant 0 : i32
      %dma_wait3A_161 = tpu.memref_slice %arg2[%dma_wait3A_159, %dma_wait3A_160] : memref<10000x128xi32, #tpu.memory_space<hbm>> -> memref<10000x128xi32, #tpu.memory_space<hbm>>
      tpu.wait_indirect_dma semaphore(%arg11 : memref<!tpu.dma_semaphore, #tpu.memory_space<semaphore_mem>>) src(%dma_wait3A_161 : memref<10000x128xi32, #tpu.memory_space<hbm>>) dst(%dma_wait3A_157 : memref<128x128xi32, #tpu.memory_space<vmem>>)
      %broadcast_in_dim3A_162 = arith.constant -65536 : i32
      %broadcast_in_dim3A_163 = vector.broadcast %broadcast_in_dim3A_162 : i32 to vector<16xi32>
      %scan3A_164 = arith.constant 0 : i32
      %scan3A_165 = arith.constant 0 : i32
      %scan3A_166 = arith.constant 4 : i32
      %scan3A_167 = arith.addi %scan3A_165, %scan3A_166 : i32
      %scan3A_168 = arith.constant 1 : i32
      scf.for %scan3A_177 = %scan3A_165 to %scan3A_167 step %scan3A_168  : i32 {
      }
      %scan3A_169 = arith.constant 4 : i32
      %add3A_170 = arith.constant 4 : i32
      %add3A_171 = arith.addi %add3A_149, %add3A_170 : i32
      %lt3A_172 = arith.constant 80 : i32
      %lt3A_173 = arith.cmpi slt, %add3A_171, %lt3A_172 : i32
      %convert_element_type3A_174 = arith.extui %lt3A_173 : i1 to i32
      %cond3A_175 = arith.constant 0 : i32
      %cond3A_176 = arith.cmpi ne, %convert_element_type3A_174, %cond3A_175 : i32
      scf.if %cond3A_176 {
        %add3A_177 = arith.constant 4 : i32
        %add3A_178 = arith.addi %add3A_149, %add3A_177 : i32
        %mul3A_179 = arith.constant 128 : i32
        %mul3A_180 = arith.muli %add3A_178, %mul3A_179 : i32
        %multiple_of3A_181 = tpu.assume_multiple %mul3A_180, 8 : i32
        %dma_start3A_182 = arith.constant 3 : i32
        %dma_start3A_183 = arith.constant 0 : i32
        %dma_start3A_184 = arith.constant 0 : i32
        %dma_start3A_185 = tpu.memref_slice %arg6[%dma_start3A_182, %dma_start3A_183, %dma_start3A_184] : memref<4x128x128xi32, #tpu.memory_space<vmem>> -> memref<1x128x128xi32, #tpu.memory_space<vmem>>
        %dma_start3A_186 = tpu.memref_squeeze %dma_start3A_185 : memref<1x128x128xi32, #tpu.memory_space<vmem>> -> memref<128x128xi32, #tpu.memory_space<vmem>>
        %dma_start3A_187 = tpu.memref_slice %arg5[%multiple_of3A_181] : memref<10240xi32, #tpu.memory_space<vmem>> -> memref<128xi32, #tpu.memory_space<vmem>>
        %dma_start3A_188 = arith.constant 0 : i32
        %dma_start3A_189 = arith.constant 0 : i32
        %dma_start3A_190 = tpu.memref_slice %arg2[%dma_start3A_188, %dma_start3A_189] : memref<10000x128xi32, #tpu.memory_space<hbm>> -> memref<10000x128xi32, #tpu.memory_space<hbm>>
        tpu.enqueue_indirect_dma source(%dma_start3A_190 : memref<10000x128xi32, #tpu.memory_space<hbm>>) target(%dma_start3A_186 : memref<128x128xi32, #tpu.memory_space<vmem>>) offsets(%dma_start3A_187 : memref<128xi32, #tpu.memory_space<vmem>>) semaphore(%arg11 : memref<!tpu.dma_semaphore, #tpu.memory_space<semaphore_mem>>)
      } else {
      }
    }
    %scan3A_53 = arith.constant 20 : i32
    %mul3A_54 = arith.constant 4 : i32
    %mul3A_55 = arith.muli %min3A_3, %mul3A_54 : i32
    %multiple_of3A_56 = tpu.assume_multiple %mul3A_55, 8 : i32
    "tpu.region"() ({
      %run_scoped3A = tpu.sem_alloc : memref<!tpu.dma_semaphore, #tpu.memory_space<semaphore_mem>>
      %dma_start3A_57 = arith.constant 0 : i32
      %dma_start3A_58 = tpu.memref_slice %arg4[%multiple_of3A_56, %dma_start3A_57] : memref<10000x128xf32, #tpu.memory_space<hbm>> -> memref<320x128xf32, #tpu.memory_space<hbm>>
      %dma_start3A_59 = arith.constant 0 : i32
      %dma_start3A_60 = tpu.memref_slice %arg4[%multiple_of3A_56, %dma_start3A_59] : memref<10000x128xf32, #tpu.memory_space<hbm>> -> memref<320x128xf32, #tpu.memory_space<hbm>>
      tpu.enqueue_dma source(%arg7 : memref<320x128xf32, #tpu.memory_space<vmem>>) target(%dma_start3A_60 : memref<320x128xf32, #tpu.memory_space<hbm>>) target_semaphore(%run_scoped3A : memref<!tpu.dma_semaphore, #tpu.memory_space<semaphore_mem>>)
      %dma_wait3A = arith.constant 0 : i32
      %dma_wait3A_61 = tpu.memref_slice %arg4[%multiple_of3A_56, %dma_wait3A] : memref<10000x128xf32, #tpu.memory_space<hbm>> -> memref<320x128xf32, #tpu.memory_space<hbm>>
      %dma_wait3A_62 = arith.constant 0 : i32
      %dma_wait3A_63 = tpu.memref_slice %arg4[%multiple_of3A_56, %dma_wait3A_62] : memref<10000x128xf32, #tpu.memory_space<hbm>> -> memref<320x128xf32, #tpu.memory_space<hbm>>
      tpu.wait_dma2 semaphore(%run_scoped3A : memref<!tpu.dma_semaphore, #tpu.memory_space<semaphore_mem>>) src(%arg7 : memref<320x128xf32, #tpu.memory_space<vmem>>) dst(%dma_wait3A_63 : memref<320x128xf32, #tpu.memory_space<hbm>>)
      tpu.yield
    }) : () -> ()
    return
  }
}

module attributes {stable_mosaic.version = 14 : i64} {
  func.func @_matmul_pack_kernel(%arg0: i32, %arg1: memref<1000x128xf32, #tpu.memory_space<vmem>>, %arg2: memref<128x128xf32, #tpu.memory_space<vmem>>, %arg3: memref<8x128xf32, #tpu.memory_space<vmem>>, %arg4: memref<1000x128xi32, #tpu.memory_space<vmem>>) attributes {dimension_semantics = [#tpu.dimension_semantics<arbitrary>], iteration_bounds = array<i64: 10>, scalar_prefetch = 0 : i64, scratch_operands = 0 : i64, tpu.core_type = #tpu.core_type<tc>, window_params = [{transform_indices = @transform_0, window_bounds = array<i64: 1000, 128>}, {pipeline_mode = #tpu.pipeline_mode<synchronous>, transform_indices = @transform_1, window_bounds = array<i64: 128, 128>}, {pipeline_mode = #tpu.pipeline_mode<synchronous>, transform_indices = @transform_2, window_bounds = array<i64: 8, 128>}, {transform_indices = @transform_3, window_bounds = array<i64: 1000, 128>}]} {
    %get3A = arith.constant 0 : index
    %get3A_0 = arith.constant 0 : index
    %get3A_1 = vector.load %arg1[%get3A, %get3A_0] : memref<1000x128xf32, #tpu.memory_space<vmem>>, vector<1000x128xf32>
    %get3A_2 = arith.constant 0 : index
    %get3A_3 = arith.constant 0 : index
    %get3A_4 = vector.load %arg2[%get3A_2, %get3A_3] : memref<128x128xf32, #tpu.memory_space<vmem>>, vector<128x128xf32>
    %dot_general3A = arith.constant dense<0.000000e+00> : vector<1000x128xf32>
    %dot_general3A_5 = tpu.matmul %get3A_1, %get3A_4, %dot_general3A {dimension_numbers = #tpu.dot_dimension_numbers<[1], [0], [0], [1], [0, 0, 1, 1], [], []>, transpose_lhs_hint = false} : vector<1000x128xf32>, vector<128x128xf32>, vector<1000x128xf32> -> vector<1000x128xf32>
    %get3A_6 = arith.constant 0 : index
    %get3A_7 = arith.constant 0 : index
    %get3A_8 = vector.load %arg3[%get3A_6, %get3A_7] : memref<8x128xf32, #tpu.memory_space<vmem>>, vector<1x128xf32>
    %add3A = vector.broadcast %get3A_8 : vector<1x128xf32> to vector<1000x128xf32>
    %add3A_9 = arith.addf %dot_general3A_5, %add3A : vector<1000x128xf32>
    %mul3A = arith.constant 3.125000e-02 : f32
    %mul3A_10 = vector.broadcast %mul3A : f32 to vector<1000x128xf32>
    %mul3A_11 = arith.mulf %add3A_9, %mul3A_10 : vector<1000x128xf32>
    %slice3A = vector.extract_strided_slice %mul3A_11 {offsets = [0, 0], sizes = [1000, 64], strides = [1, 1]} : vector<1000x128xf32> to vector<1000x64xf32>
    %bitcast_convert_type3A = tpu.bitcast %slice3A : vector<1000x64xf32> -> vector<1000x64xi32>
    %add3A_12 = arith.constant 32767 : i32
    %add3A_13 = vector.broadcast %add3A_12 : i32 to vector<1000x64xi32>
    %add3A_14 = arith.addi %bitcast_convert_type3A, %add3A_13 : vector<1000x64xi32>
    %shift_right_logical3A = arith.constant 16 : i32
    %shift_right_logical3A_15 = vector.broadcast %shift_right_logical3A : i32 to vector<1000x64xi32>
    %shift_right_logical3A_16 = arith.shrui %bitcast_convert_type3A, %shift_right_logical3A_15 : vector<1000x64xi32>
    %and3A = arith.constant 1 : i32
    %and3A_17 = vector.broadcast %and3A : i32 to vector<1000x64xi32>
    %and3A_18 = arith.andi %shift_right_logical3A_16, %and3A_17 : vector<1000x64xi32>
    %add3A_19 = arith.addi %add3A_14, %and3A_18 : vector<1000x64xi32>
    %shift_right_logical3A_20 = arith.constant 16 : i32
    %shift_right_logical3A_21 = vector.broadcast %shift_right_logical3A_20 : i32 to vector<1000x64xi32>
    %shift_right_logical3A_22 = arith.shrui %add3A_19, %shift_right_logical3A_21 : vector<1000x64xi32>
    %slice3A_23 = vector.extract_strided_slice %mul3A_11 {offsets = [0, 64], sizes = [1000, 64], strides = [1, 1]} : vector<1000x128xf32> to vector<1000x64xf32>
    %bitcast_convert_type3A_24 = tpu.bitcast %slice3A_23 : vector<1000x64xf32> -> vector<1000x64xi32>
    %add3A_25 = arith.constant 32767 : i32
    %add3A_26 = vector.broadcast %add3A_25 : i32 to vector<1000x64xi32>
    %add3A_27 = arith.addi %bitcast_convert_type3A_24, %add3A_26 : vector<1000x64xi32>
    %shift_right_logical3A_28 = arith.constant 16 : i32
    %shift_right_logical3A_29 = vector.broadcast %shift_right_logical3A_28 : i32 to vector<1000x64xi32>
    %shift_right_logical3A_30 = arith.shrui %bitcast_convert_type3A_24, %shift_right_logical3A_29 : vector<1000x64xi32>
    %and3A_31 = arith.constant 1 : i32
    %and3A_32 = vector.broadcast %and3A_31 : i32 to vector<1000x64xi32>
    %and3A_33 = arith.andi %shift_right_logical3A_30, %and3A_32 : vector<1000x64xi32>
    %add3A_34 = arith.addi %add3A_27, %and3A_33 : vector<1000x64xi32>
    %shift_right_logical3A_35 = arith.constant 16 : i32
    %shift_right_logical3A_36 = vector.broadcast %shift_right_logical3A_35 : i32 to vector<1000x64xi32>
    %shift_right_logical3A_37 = arith.shrui %add3A_34, %shift_right_logical3A_36 : vector<1000x64xi32>
    %shift_left3A = arith.constant 16 : i32
    %shift_left3A_38 = vector.broadcast %shift_left3A : i32 to vector<1000x64xi32>
    %shift_left3A_39 = arith.shli %shift_right_logical3A_37, %shift_left3A_38 : vector<1000x64xi32>
    %or3A = arith.ori %shift_right_logical3A_22, %shift_left3A_39 : vector<1000x64xi32>
    %bitcast_convert_type3A_40 = tpu.bitcast %or3A : vector<1000x64xi32> -> vector<1000x64xi32>
    %swap3A = arith.constant 0 : index
    %swap3A_41 = arith.constant 0 : index
    %swap3A_42 = vector.load %arg4[%swap3A, %swap3A_41] : memref<1000x128xi32, #tpu.memory_space<vmem>>, vector<1000x64xi32>
    tpu.vector_store %arg4[%swap3A, %swap3A_41], %bitcast_convert_type3A_40 {strides = array<i32>} : memref<1000x128xi32, #tpu.memory_space<vmem>>, vector<1000x64xi32>,
    %swap3A_43 = arith.constant 0 : index
    %swap3A_44 = arith.constant 64 : index
    %swap3A_45 = vector.load %arg4[%swap3A_43, %swap3A_44] : memref<1000x128xi32, #tpu.memory_space<vmem>>, vector<1000x64xi32>
    tpu.vector_store %arg4[%swap3A_43, %swap3A_44], %bitcast_convert_type3A_40 {strides = array<i32>} : memref<1000x128xi32, #tpu.memory_space<vmem>>, vector<1000x64xi32>,
    return
  }
  func.func @transform_0(%arg0: i32) -> (i32, i32) {
    %c0_i32 = arith.constant 0 : i32
    %c0_i32_0 = arith.constant 0 : i32
    return %arg0, %c0_i32 : i32, i32
  }
  func.func @transform_1(%arg0: i32) -> (i32, i32) {
    %c0_i32 = arith.constant 0 : i32
    %c0_i32_0 = arith.constant 0 : i32
    %c0_i32_1 = arith.constant 0 : i32
    return %c0_i32, %c0_i32_0 : i32, i32
  }
  func.func @transform_2(%arg0: i32) -> (i32, i32) {
    %c0_i32 = arith.constant 0 : i32
    %c0_i32_0 = arith.constant 0 : i32
    %c0_i32_1 = arith.constant 0 : i32
    return %c0_i32, %c0_i32_0 : i32, i32
  }
  func.func @transform_3(%arg0: i32) -> (i32, i32) {
    %c0_i32 = arith.constant 0 : i32
    %c0_i32_0 = arith.constant 0 : i32
    return %arg0, %c0_i32 : i32, i32
  }
}

</mosaic_0001>

<sc_bundles>
// kernel: kernel.4.cloned.1.call-start
scs
__scs_entry_jumppad:
0x0: {  	(pc) =	sbr.rel $0x88, $3  }
0x1: {  	(tag) =	ssettag $0x0;
	lr =	simm.s32 $0x1  }
0x2: {  	[smem:$0x3F9D] =	sst lr;
	_ =	strace $0xD0000000  }
0x3: {  	_ = 	snop  }
0x4: {  	_ = 	snop  }
0x5: {  	_ = 	snop  }
0x6: {  	_ = 	snop  }
0x7: {  	_ = 	snop  }
__scs_overlays_trampoline_lowered:
0x8: {  	[smem:$0x3FAC] =	sst s0  }
0x9: {  	[smem:$0x3FAD] =	sst s1  }
0xa: {  	[smem:$0x3FAE] =	sst s2  }
0xb: {  	[smem:$0x3FAF] =	sst s3  }
0xc: {  	[smem:$0x3FB0] =	sst s4  }
0xd: {  	[smem:$0x3FB1] =	sst s5  }
0xe: {  	[smem:$0x3FB2] =	sst s6  }
0xf: {  	[smem:$0x3FB3] =	sst s7  }
0x10: {  	[smem:$0x3FB4] =	sst s8  }
0x11: {  	[smem:$0x3FB5] =	sst s9;
	s0 =	simm.s32 @!p0 $0x0  }
0x12: {  	s1 =	sld [smem:$0x3F9B];
	s0 =	simm.s32 @p0 $0x1  }
0x13: {  	[smem:$0x3FB6] =	sst s0;
	s0 =	simm.s32 @!p1 $0x0  }
0x14: {  	s2 =	sld [smem:$0x3F9A];
	s0 =	simm.s32 @p1 $0x1  }
0x15: {  	[smem:$0x3FB7] =	sst s0;
	s0 =	simm.s32 @!p2 $0x0  }
0x16: {  	s3 =	sld [smem:$0x3FDB];
	s0 =	simm.s32 @p2 $0x1  }
0x17: {  	s4 =	simm.s32 $0x1BF5;
	[smem:$0x3FB9] =	sst s0  }
0x18: {  	s0 =	sld [smem:$0x3F9C];
	_ =	swait.ge [sflag:s4], $0x0  }
0x19: {  	s7 =	sld [smem:$0x3F9D]  }
0x1a: {  	s8 =	sadd.s32 $0xFFFFE003, lr  }
0x1b: {  	s9 =	sadd.s32 $0xFFFFFEF7, lr;
	s5 =	simm.s32 $0xFFFFFFFF;
	p2 =	slt.u32 s8, $0xFFFFF086  }
0x1c: {  	p1 =	slt.u32 s9, $0xF7A;
	s5 =	simm.s32 @!p2 $0x0  }
0x1d: {  	s5 =	simm.s32 @p1 $0x1;
	p0 =	seq.s32 s7, s2  }
0x1e: {  	s7 =	smul.u32 @!p0 $0xF7A, s2;
	p2 =	seq.s32 @!p0 s5, $0x0  }
0x1f: {  	s9 =	smul.u32 $0xF7A, s1;
	s8 =	simm.s32 @!p0 $0x1BF5;
	p2 =	por !p2, p0  }
0x20: {  	[sflag:s8] =	ssyncset.s32 @!p0 $0xFFFFF086;
	s6 =	sadd.s32 @!p0 s3, s7;
	s7 =	simm.s32 @!p0 $0x108  }
0x21: {  	s3 =	sadd.s32 s3, s9;
	s6 =	sadd.s32 @!p0 $0x88, s6;
	s7 =	simm.s32 @p2 $0x1082  }
0x22: {  	[simem:s7], [sflag:s8] =	dma.local @!p0 [hbm:s6], $0xF7A  }
0x23: {  	s9 =	sor.u32 $0xD0000000, s2;
	s6 =	simm.s32 $0x108;
	_ =	swait.ge @!p0 [sflag:s8], $0x0  }
0x24: {  	s3 =	sadd.s32 $0x88, s3;
	s6 =	simm.s32 @!p1 $0x1082;
	[sflag:s4] =	ssyncset.s32 $0xFFFFF086  }
0x25: {  	[simem:s6], [sflag:s4] =	dma.local [hbm:s3], $0xF7A  }
0x26: {  	[smem:$0x3F9D] =	sst s1;
	(tag) =	ssettag s2;
	_ =	strace s9  }
0x27: {  	s1 =	sld [smem:$0x3FAD]  }
0x28: {  	s2 =	sld [smem:$0x3FAE]  }
0x29: {  	s4 =	sld [smem:$0x3FB0]  }
0x2a: {  	p0 =	seq.s32 s5, $0x0;
	s5 =	sld [smem:$0x3FB1]  }
0x2b: {  	s6 =	sld [smem:$0x3FB2]  }
0x2c: {  	s7 =	sld [smem:$0x3FB3]  }
0x2d: {  	s3 =	simm.s32 $0x108;
	s8 =	sld [smem:$0x3FB4]  }
0x2e: {  	s3 =	simm.s32 @!p0 $0x1082;
	s9 =	sld [smem:$0x3FB5]  }
0x2f: {  	lr =	sadd.s32 s0, s3;
	s0 =	sld [smem:$0x3FAC]  }
0x30: {  	s3 =	sld [smem:$0x3FAF]  }
0x31: {  	[smem:$0x3FB8] =	sst s10  }
0x32: {  	s10 =	sld [smem:$0x3FB6];
	_ =	sdelay $0x3  }
0x33: {  	p0 =	seq.s32 s10, $0x1;
	s10 =	sld [smem:$0x3FB8];
	_ =	sdelay $0x3  }
0x34: {  	[smem:$0x3FB8] =	sst s10  }
0x35: {  	s10 =	sld [smem:$0x3FB7];
	_ =	sdelay $0x3  }
0x36: {  	p1 =	seq.s32 s10, $0x1;
	s10 =	sld [smem:$0x3FB8];
	_ =	sdelay $0x3  }
0x37: {  	[smem:$0x3FB8] =	sst s10  }
0x38: {  	s10 =	sld [smem:$0x3FB9]  }
0x39: {  	_ = 	snop;
	(pc) =	sbr.ind lr, $3  }
0x3a: {  	_ = 	snop  }
0x3b: {  	_ = 	snop  }
0x3c: {  	p2 =	seq.s32 s10, $0x1;
	s10 =	sld [smem:$0x3FB8]  }
0x3d: {  	_ =	shalt  }
0x3e: {  	_ =	shalt  }
0x3f: {  	_ =	shalt  }
0x40: {  	_ =	shalt  }
0x41: {  	_ =	shalt  }
0x42: {  	_ =	shalt  }
0x43: {  	_ =	shalt  }
0x44: {  	_ =	shalt  }
0x45: {  	_ =	shalt  }
0x46: {  	_ =	shalt  }
0x47: {  	_ =	shalt  }
0x48: {  	_ =	shalt  }
0x49: {  	_ =	shalt  }
0x4a: {  	_ =	shalt  }
0x4b: {  	_ =	shalt  }
0x4c: {  	_ =	shalt  }
0x4d: {  	_ =	shalt  }
0x4e: {  	_ =	shalt  }
0x4f: {  	_ =	shalt  }
0x50: {  	_ =	shalt  }
0x51: {  	_ =	shalt  }
0x52: {  	_ =	shalt  }
0x53: {  	_ =	shalt  }
0x54: {  	_ =	shalt  }
0x55: {  	_ =	shalt  }
0x56: {  	_ =	shalt  }
0x57: {  	_ =	shalt  }
0x58: {  	_ =	shalt  }
0x59: {  	_ =	shalt  }
0x5a: {  	_ =	shalt  }
0x5b: {  	_ =	shalt  }
0x5c: {  	_ =	shalt  }
0x5d: {  	_ =	shalt  }
0x5e: {  	_ =	shalt  }
0x5f: {  	_ =	shalt  }
0x60: {  	_ =	shalt  }
0x61: {  	_ =	shalt  }
0x62: {  	_ =	shalt  }
0x63: {  	_ =	shalt  }
0x64: {  	_ =	shalt  }
0x65: {  	_ =	shalt  }
0x66: {  	_ =	shalt  }
0x67: {  	_ =	shalt  }
0x68: {  	_ =	shalt  }
0x69: {  	_ =	shalt  }
0x6a: {  	_ =	shalt  }
0x6b: {  	_ =	shalt  }
0x6c: {  	_ =	shalt  }
0x6d: {  	_ =	shalt  }
0x6e: {  	_ =	shalt  }
0x6f: {  	_ =	shalt  }
0x70: {  	_ =	shalt  }
0x71: {  	_ =	shalt  }
0x72: {  	_ =	shalt  }
0x73: {  	_ =	shalt  }
0x74: {  	_ =	shalt  }
0x75: {  	_ =	shalt  }
0x76: {  	_ =	shalt  }
0x77: {  	_ =	shalt  }
0x78: {  	_ =	shalt  }
0x79: {  	_ =	shalt  }
0x7a: {  	_ =	shalt  }
0x7b: {  	_ =	shalt  }
0x7c: {  	_ =	shalt  }
0x7d: {  	_ =	shalt  }
0x7e: {  	_ =	shalt  }
0x7f: {  	_ =	shalt  }
0x80: {  	_ =	shalt  }
0x81: {  	_ =	shalt  }
0x82: {  	_ =	shalt  }
0x83: {  	_ =	shalt  }
0x84: {  	_ =	shalt  }
0x85: {  	_ =	shalt  }
0x86: {  	_ =	shalt  }
0x87: {  	_ =	shalt  }
.Lfunc_end0:
.L_simem_size_0:
called_computation_lowered:
.L_overlay_start_0:
0x88: {  	s2 =	sld [smem:$0x3FD9]  }
0x89: {  	s3 =	sld [smem:$0x3FFE];
	_ =	sdelay $0x1  }
0x8a: {  	s1 =	srdreg.scid  }
0x8b: {  	s0 =	sand.u32 $0x1, s1  }
0x8c: {  	s17 =	sshll.u32 s0, $0xA;
	s2 =	sadd.s32 s3, s2  }
0x8d: {  	s2 =	sadd.s32 s2, s17  }
0x8e: {  	[smem:$0x3FC4] =	sst s2  }
0x8f: {  	_ = 	snop  }
0x90: {  	s2 =	sld [smem:$0x3FC6]  }
0x91: {  	s18 =	sld [smem:$0x3FD0];
	(tm) =	ssettm $0x1  }
0x92: {  	s4 =	sld [smem:$0x3FFB];
	_ =	sdelay $0x3  }
0x93: {  	_ =	strace s4  }
0x94: {  	s4 =	sld [smem:$0x3FFC];
	_ =	sdelay $0x3  }
0x95: {  	_ =	strace s4  }
0x96: {  	s4 =	sld [smem:$0x3FFD];
	_ =	sdelay $0x3  }
0x97: {  	_ =	strace s4  }
0x98: {  	_ =	strace $0x8FFFFFFF  }
0x99: {  	s19 =	sld [smem:$0x3FDB];
	_ =	sdelay $0x1  }
0x9a: {  	s5 =	simm.s32 $_scs_section_size  }
0x9b: {  	s6 =	simm.s32 $_size__tile_overlayer_lowered;
	s7 =	simm.s32 $_tile_overlayer_lowered  }
0x9c: {  	s22 =	simm.s32 $0x1BFF;
	s21 =	sshll.u32 s7, $0x1;
	s4 =	sadd.s32 s5, s19  }
0x9d: {  	s8 =	simm.s32 $0x0;
	s20 =	sshll.u32 s6, $0x1;
	s6 =	sadd.s32 s21, s4  }
0x9e: {  	[timem:s8], [sflag:s22] =	dma.local [hbm:s6], s20  }
0x9f: {  	_ =	swait.ge [sflag:s22], s20  }
0xa0: {  	s5 =	ssub.s32 $0x0, s20;
	[sflag:s22] =	ssyncset.done $0x0  }
0xa1: {  	[sflag:s22] =	ssyncadd.s32 s5;
	_ =	sdelay $0x1  }
0xa2: {  	s23 =	simm.s32 $0x1B8B  }
0xa3: {  	_ =	swait.ge [sflag:s23], $0x1  }
0xa4: {  	[sflag:s23] =	ssyncset.done $0x0  }
0xa5: {  	s25 =	simm.s32 $0x1B8E;
	s24 =	sld [smem:$0x3FFE];
	[sflag:s23] =	ssyncadd.s32 $0xFFFFFFFF  }
0xa6: {  	s26 =	simm.s32 $execute0_lowered;
	[smem:$0x3FD2] =	sst s25  }
0xa7: {  	s6 =	sshll.u32 s26, $0x1;
	_ =	strace $0x80000046;
	[dreg:$0x1] =	wrdreg $0xFFFFFFFF  }
0xa8: {  	s28 =	simm.s32 $_size_execute0_lowered;
	s4 =	sadd.s32 s4, s6;
	[dreg:$0x0] =	wrdreg $0x0  }
0xa9: {  	s6 =	sshll.u32 s28, $0x1;
	[dreg:$0x2] =	wrdreg s4  }
0xaa: {  	[dreg:$0x3] =	wrdreg s6  }
0xab: {  	[dreg:$0x4] =	wrdreg $0xC0  }
0xac: {  	_ =	task [dreg:s8], $0x5FFFF  }
0xad: {  	[dreg:$0x1] =	wrdreg $0xFFFFFFFF  }
0xae: {  	[dreg:$0x0] =	wrdreg $0x60  }
0xaf: {  	[dreg:$0x2] =	wrdreg s24  }
0xb0: {  	[dreg:$0x3] =	wrdreg s2  }
0xb1: {  	[dreg:$0x4] =	wrdreg s18  }
0xb2: {  	[dreg:$0x5] =	wrdreg $0x9  }
0xb3: {  	_ =	task.clear_ibuf [dreg:s8], $0x6FFFF;
	_ =	strace $0x90000046  }
0xb4: {  	s29 =	simm.s32 $0x9;
	_ =	strace $0x80000048  }
0xb5: {  	_ =	swait.ge [sflag:s29], $0x1  }
0xb6: {  	[sflag:s29] =	ssyncadd.s32 $0xFFFFFFFF  }
0xb7: {  	_ =	strace $0x90000048  }
0xb8: {  	_ =	sfence  }
0xb9: {  	s30 =	sld [smem:$0x0];
	_ =	sdelay $0x2  }
0xba: {  	s31 =	sshll.u32 s1, $0xD;
	s1 =	sshrl.u32 s1, $0x2  }
0xbb: {  	s3 =	sand.u32 $0x4000, s31;
	s1 =	sadd.s32 s1, s30  }
0xbc: {  	s0 =	sor.u32 s3, s0;
	s1 =	sshll.u32 s1, $0x11  }
0xbd: {  	s0 =	sor.u32 s1, s0  }
0xbe: {  	s0 =	sadd.s32 $0x8F2B, s0  }
0xbf: {  	[sflag:s0] =	ssyncadd.remote.s32 $0x1  }
0xc0: {  	_ =	sfence.sel $0xFFFF  }
0xc1: {  	[dreg:$0x0] =	wrdreg $0xFFFFFFFF;
	(pc) =	sbr.abs _section_cstart, $3  }
0xc2: {  	[dreg:$0x1] =	wrdreg $0xFFFFFFFF  }
0xc3: {  	_ =	task.clear_ibuf [dreg:s8], $0x2FFFF;
	_ =	strace $0x9FFFFFFF  }
0xc4: {  	(tm) =	ssettm $0x7FFFFFFF  }
0xc5: {  	_ =	shalt  }
tec
execute0_lowered:
.L_overlay_start_1:
0x0: {  	(tag) =	ssettag $0x1  }
0x1: {  	s3 =	rddreg [dreg:$0x0]  }
0x2: {  	s4 =	rddreg [dreg:$0x1]  }
0x3: {  	s1 =	srdreg.scid;
	s0 =	stileid.u32  }
0x4: {  	s5 =	rddreg [dreg:$0x2];
	s2 =	simm.s32 $0x0;
	s10 =	simm.s32 $0x6800  }
0x5: {  	s11 =	simm.s32 $0x100;
	s12 =	simm.s32 $0xA800;
	s13 =	simm.s32 $0x180  }
0x6: {  	s14 =	simm.s32 $0xE800;
	s15 =	simm.s32 $0x1;
	s16 =	simm.s32 $0x2  }
0x7: {  	s17 =	simm.s32 $0x3;
	s6 =	sand.u32 $0x1, s1;
	s7 =	sshll.u32 s0, $0x1  }
0x8: {  	s18 =	simm.s32 $0x4;
	s19 =	simm.s32 $0x12800;
	s7 =	sor.u32 s6, s7  }
0x9: {  	s20 =	simm.s32 $0x0;
	s1 =	rddreg [dreg:$0x3];
	s7 =	smul.u32 $0x50, s7  }
0xa: {  	[smem:$0x7FF] =	sst s2;
	s3 =	sadd.s32 $0xA00, s3;
	s6 =	ssub.s32 $0x2, s6  }
0xb: {  	_ =	strace $0x80000047;
	s8 =	sshrl.u32 s6, $0x1;
	s7 =	smin.u32 s7, $0x974  }
0xc: {  	s6 =	ssub.s32 s6, s8;
	s8 =	simm.s32 $0x80;
	s9 =	sshll.u32 s7, $0x4  }
0xd: {  	s6 =	smax.u32 s6, $0x1;
	s7 =	sshll.u32 s7, $0x6;
	s4 =	sadd.s32 s4, s9  }
0xe: {  	s5 =	sadd.s32 s5, s7;
	s7 =	simm.s32 $0x5;
	s9 =	simm.s32 $0x2800  }
.LBB2_1:
0xf: {  	[tilespmem:s2], [sflag:$0x5] =	stream.linear.gather [hbm4b:s4+s2], $0x2800, $0x38;
	[tilespmem:$0x1C800] =	vst v63  }
0x10: {  	_ =	swait.ge [sflag:s7], $0x2800  }
0x11: {  	[sflag:s7] =	ssyncset.done $0x0  }
0x12: {  	[sflag:s7] =	ssyncadd.s32 $0xFFFFD800  }
0x13: {  	[tilespmem:s9], [sflag:$0x1] =	stream.indirect.gather [hbm4b:s3+s8], $0x80, s2, s8, $0xb8;
	[tilespmem:$0x1C800] =	vst v63  }
0x14: {  	_ = 	snop  }
0x15: {  	[tilespmem:s10], [sflag:$0x2] =	stream.indirect.gather [hbm4b:s3+s8], $0x80, s8, s8, $0xb8;
	[tilespmem:$0x1C800] =	vst v63  }
0x16: {  	_ = 	snop  }
0x17: {  	[tilespmem:s12], [sflag:$0x3] =	stream.indirect.gather [hbm4b:s3+s8], $0x80, s11, s8, $0xb8;
	[tilespmem:$0x1C800] =	vst v63  }
0x18: {  	_ = 	snop  }
0x19: {  	[tilespmem:s14], [sflag:$0x4] =	stream.indirect.gather [hbm4b:s3+s8], $0x80, s13, s8, $0xb8;
	[tilespmem:$0x1C800] =	vst v63  }
0x1a: {  	_ =	swait.ge [sflag:s15], $0x4000  }
0x1b: {  	[sflag:s15] =	ssyncset.done $0x0  }
0x1c: {  	s21 =	simm.s32 $0x200;
	[sflag:s15] =	ssyncadd.s32 $0xFFFFC000  }
0x1d: {  	[tilespmem:s9], [sflag:$0x1] =	stream.indirect.gather [hbm4b:s3+s8], $0x80, s21, s8, $0xb8;
	[tilespmem:$0x1C800] =	vst v63  }
0x1e: {  	_ =	swait.ge [sflag:s16], $0x4000  }
0x1f: {  	[sflag:s16] =	ssyncset.done $0x0  }
0x20: {  	s30 =	simm.s32 $0x280;
	[sflag:s16] =	ssyncadd.s32 $0xFFFFC000  }
0x21: {  	[tilespmem:s10], [sflag:$0x2] =	stream.indirect.gather [hbm4b:s3+s8], $0x80, s30, s8, $0xb8;
	[tilespmem:$0x1C800] =	vst v63  }
0x22: {  	_ =	swait.ge [sflag:s17], $0x4000  }
0x23: {  	[sflag:s17] =	ssyncset.done $0x0  }
0x24: {  	s31 =	simm.s32 $0x300;
	[sflag:s17] =	ssyncadd.s32 $0xFFFFC000  }
0x25: {  	[tilespmem:s12], [sflag:$0x3] =	stream.indirect.gather [hbm4b:s3+s8], $0x80, s31, s8, $0xb8;
	[tilespmem:$0x1C800] =	vst v63  }
0x26: {  	_ =	swait.ge [sflag:s18], $0x4000  }
0x27: {  	[sflag:s18] =	ssyncset.done $0x0  }
0x28: {  	s22 =	simm.s32 $0x380;
	s21 =	simm.s32 $0xFFFF7000;
	[sflag:s18] =	ssyncadd.s32 $0xFFFFC000  }
.LBB2_2:
0x29: {  	[tilespmem:s14], [sflag:$0x4] =	stream.indirect.gather [hbm4b:s3+s8], $0x80, s22, s8, $0xb8;
	[tilespmem:$0x1C800] =	vst v63  }
0x2a: {  	s22 =	smov.u32 s21  }
0x2b: {  	p0 =	sne.s32 s21, $0xFFFFF800;
	s21 =	sadd.s32 $0x800, s21;
	_ =	swait.ge [sflag:s15], $0x4000  }
0x2c: {  	s22 =	sshra.s32 s22, $0x2;
	[sflag:s15] =	ssyncset.done $0x0  }
0x2d: {  	s23 =	sadd.s32 $0x2800, s22;
	[sflag:s15] =	ssyncadd.s32 $0xFFFFC000  }
0x2e: {  	[tilespmem:s9], [sflag:$0x1] =	stream.indirect.gather [hbm4b:s3+s8], $0x80, s23, s8, $0xb8;
	[tilespmem:$0x1C800] =	vst v63  }
0x2f: {  	_ =	swait.ge [sflag:s16], $0x4000  }
0x30: {  	[sflag:s16] =	ssyncset.done $0x0  }
0x31: {  	s23 =	sadd.s32 $0x2880, s22;
	[sflag:s16] =	ssyncadd.s32 $0xFFFFC000  }
0x32: {  	[tilespmem:s10], [sflag:$0x2] =	stream.indirect.gather [hbm4b:s3+s8], $0x80, s23, s8, $0xb8;
	[tilespmem:$0x1C800] =	vst v63  }
0x33: {  	_ =	swait.ge [sflag:s17], $0x4000  }
0x34: {  	[sflag:s17] =	ssyncset.done $0x0  }
.Ltmp0:
0x35: {  	s23 =	sadd.s32 $0x2900, s22;
	[sflag:s17] =	ssyncadd.s32 $0xFFFFC000;
	(pc) =	sbr.rel @p0 .LBB2_2-.Ltmp0, $4  }
0x36: {  	[tilespmem:s12], [sflag:$0x3] =	stream.indirect.gather [hbm4b:s3+s8], $0x80, s23, s8, $0xb8;
	[tilespmem:$0x1C800] =	vst v63  }
0x37: {  	_ =	swait.ge [sflag:s18], $0x4000  }
0x38: {  	[sflag:s18] =	ssyncset.done $0x0  }
0x39: {  	s22 =	sadd.s32 $0x2980, s22;
	[sflag:s18] =	ssyncadd.s32 $0xFFFFC000  }
0x3a: {  	[tilespmem:s14], [sflag:$0x4] =	stream.indirect.gather [hbm4b:s3+s8], $0x80, s22, s8, $0xb8;
	[tilespmem:$0x1C800] =	vst v63  }
0x3b: {  	_ =	swait.ge [sflag:s15], $0x4000  }
0x3c: {  	[sflag:s15] =	ssyncset.done $0x0  }
0x3d: {  	[sflag:s15] =	ssyncadd.s32 $0xFFFFC000  }
0x3e: {  	_ =	swait.ge [sflag:s16], $0x4000  }
0x3f: {  	[sflag:s16] =	ssyncset.done $0x0  }
0x40: {  	[sflag:s16] =	ssyncadd.s32 $0xFFFFC000  }
0x41: {  	_ =	swait.ge [sflag:s17], $0x4000  }
0x42: {  	[sflag:s17] =	ssyncset.done $0x0  }
0x43: {  	[sflag:s17] =	ssyncadd.s32 $0xFFFFC000  }
0x44: {  	s20 =	sadd.s32 $0x1, s20;
	_ =	swait.ge [sflag:s18], $0x4000  }
0x45: {  	p0 =	sne.s32 s20, s6;
	[sflag:s18] =	ssyncset.done $0x0  }
.Ltmp1:
0x46: {  	[sflag:s18] =	ssyncadd.s32 $0xFFFFC000;
	(pc) =	sbr.rel @p0 .LBB2_1-.Ltmp1, $4  }
0x47: {  	[hbm4b:s5+s2] =	stream.linear.scatter [tilespmem:s19], [sflag:$0x5], $0xA000, $0x38;
	[tilespmem:$0x1C800] =	vst v63  }
0x48: {  	_ =	swait.ge [sflag:s7], $0xA000  }
0x49: {  	[sflag:s7] =	ssyncset.done $0x0  }
0x4a: {  	[sflag:s7] =	ssyncadd.s32 $0xFFFF6000  }
0x4b: {  	_ =	sfence.sel $0x180000  }
0x4c: {  	[bflag:$0x0] =	sbarrier.arrive $0xFFFF  }
0x4d: {  	p0 =	sne.s32 s0, $0x0;
	_ =	strace $0x90000047  }
0x4e: {  	s0 =	sadd.s32 @!p0 $0x100000, s1;
	[bflag:$0x2] =	sbarrier.arrive $0xFFFF  }
0x4f: {  	[sflag:s0] =	ssyncadd.tile.s32 @!p0 $0x1;
	_ =	shalt  }
.Lfunc_end2:
_tile_overlayer_lowered:
.L_overlay_start_2:
0x50: {  	(tag) =	ssettag $0x2  }
0x51: {  	s0 =	rddreg [dreg:$0x0];
	s2 =	stileid.u32  }
0x52: {  	s1 =	rddreg [dreg:$0x1];
	p0 =	sne.s32 s2, $0x0  }
0x53: {  	s3 =	rddreg [dreg:$0x2];
	[bflag:$0x3] =	sbarrier.arrive $0xFFFF;
	s2 =	simm.s32 @!p0 $0x1C05  }
0x54: {  	[timem:s3], [sflag:s2] =	dma.local @!p0 [hbm:s0], s1  }
0x55: {  	s0 =	simm.s32 @!p0 $0x5  }
0x56: {  	_ =	swait.ge @!p0 [sflag:s0], s1  }
0x57: {  	s1 =	ssub.s32 @!p0 $0x0, s1;
	[sflag:s0] =	ssyncset.done @!p0 $0x0  }
0x58: {  	[sflag:s0] =	ssyncadd.s32 @!p0 s1  }
0x59: {  	[bflag:$0x3] =	sbarrier.arrive $0xFFFF  }
0x5a: {  	_ =	shalt  }

</sc_bundles>
